<compile_context>
chip_gen: v7x
topology: tpu7x:2x2x1
jax: 0.10.2.dev20260603
libtpu: 0.0.44.dev20260713+nightly
codegen_flags: <defaults>
</compile_context>

<pallas_src>
import functools
import math

import jax
import jax.numpy as jnp
from jax import lax
from jax.experimental import pallas as pl
from jax.experimental.pallas import tpu as pltpu
from jax.experimental.pallas import tpu_sc as plsc

N = 10000
D = 256
H = 8
DH = 32
F = 512
E = 160000
L = 3

NC = 2
NS = 16
HALF = N // NC
RPAD = 5008
NZCH = RPAD // 16
NW = NC * NS
SLICE = 5024
EPAD = SLICE * NW
CH = 32
SCAP = 5056
ISQ = 1.0 / math.sqrt(DH)
DUMP = HALF

_f32 = jnp.float32
_i32 = jnp.int32




def _part_body(src_hbm, dst_hbm, srcp_hbm, dstp_hbm, cnt_hbm,
               sin, din, os0, od0, os1, od1, cb0, cb1):
    c = lax.axis_index("c")
    sid = lax.axis_index("s")
    w = c * NS + sid
    iota = lax.iota(_i32, 16)

    def _pre(i, _):
        sl = pl.ds(i * 16, 16)
        os0[sl] = jnp.zeros((16,), _i32)
        os1[sl] = jnp.zeros((16,), _i32)
        od0[sl] = jnp.full((16,), N, _i32)
        od1[sl] = jnp.full((16,), N, _i32)
        return 0
    lax.fori_loop(0, SCAP // 16, _pre, 0)

    pltpu.sync_copy(src_hbm.at[pl.ds(w * SLICE, SLICE)], sin)
    pltpu.sync_copy(dst_hbm.at[pl.ds(w * SLICE, SLICE)], din)

    def _grp(i, carry):
        o0, o1 = carry
        sv = sin[pl.ds(i * 16, 16)]
        dv = din[pl.ds(i * 16, 16)]
        m0 = dv < HALF
        plsc.store_compressed(os0.at[pl.ds(o0, 16)], sv, mask=m0)
        plsc.store_compressed(od0.at[pl.ds(o0, 16)], dv, mask=m0)
        plsc.store_compressed(os1.at[pl.ds(o1, 16)], sv, mask=~m0)
        plsc.store_compressed(od1.at[pl.ds(o1, 16)], dv, mask=~m0)
        n0 = jnp.max(plsc.all_reduce_population_count(m0))
        return (o0 + n0, o1 + (16 - n0))

    o0, o1 = lax.fori_loop(0, SLICE // 16, _grp, (0, 0))
    cb0[...] = jnp.full((16,), 1, _i32) * o0
    cb1[...] = jnp.full((16,), 1, _i32) * o1
    pltpu.sync_copy(os0, srcp_hbm.at[0, w])
    pltpu.sync_copy(od0, dstp_hbm.at[0, w])
    pltpu.sync_copy(os1, srcp_hbm.at[1, w])
    pltpu.sync_copy(od1, dstp_hbm.at[1, w])
    pltpu.sync_copy(cb0, cnt_hbm.at[0, w])
    pltpu.sync_copy(cb1, cnt_hbm.at[1, w])


@jax.jit
def _sc_part(src, dst):
    mesh = plsc.VectorSubcoreMesh(core_axis_name="c", subcore_axis_name="s",
                                  num_cores=NC, num_subcores=NS)
    f = pl.kernel(
        _part_body,
        out_type=[
            jax.ShapeDtypeStruct((NC, NW, SCAP), _i32),
            jax.ShapeDtypeStruct((NC, NW, SCAP), _i32),
            jax.ShapeDtypeStruct((NC, NW, 16), _i32),
        ],
        mesh=mesh,
        compiler_params=pltpu.CompilerParams(use_tc_tiling_on_sc=False,
                                             needs_layout_passes=False),
        scratch_types=[
            pltpu.VMEM((SLICE,), _i32),
            pltpu.VMEM((SLICE,), _i32),
            pltpu.VMEM((SCAP,), _i32),
            pltpu.VMEM((SCAP,), _i32),
            pltpu.VMEM((SCAP,), _i32),
            pltpu.VMEM((SCAP,), _i32),
            pltpu.VMEM((16,), _i32),
            pltpu.VMEM((16,), _i32),
        ],
    )
    return f(src, dst)


def _edge_body(q_hbm, k_hbm, v_hbm, srcp_hbm, dstp_hbm, cnt_hbm,
               zacc_hbm, zden_hbm, acc_hbm, den_hbm,
               qbufs, kbufs, vbuf, exrow, sidxs, didxs, dloc, cntb,
               semg, semv, acc_sp, den_sp):
    c = lax.axis_index("c")
    s = lax.axis_index("s")
    iota = lax.iota(_i32, 16)
    zv = jnp.zeros((16,), _f32)
    nbase = c * HALF

    for t in range(-(-NZCH // NS)):
        ch = t * NS + s
        @pl.when(ch < NZCH)
        def _():
            pltpu.sync_copy(zacc_hbm, acc_sp.at[pl.ds(ch * 16, 16)])
            pltpu.sync_copy(zden_hbm, den_sp.at[pl.ds(ch * 16, 16)])

    def _zex(i, _):
        exrow[i, :] = zv
        return 0
    lax.fori_loop(0, CH, _zex, 0)

    pltpu.sync_copy(cnt_hbm.at[c], cntb)
    plsc.subcore_barrier()

    def _alpha(qbuf, kbuf):
        def _mh(m, _):
            g = m // H
            h = m - g * H
            rowv = g * 16 + iota
            basec = jnp.full((16,), h * DH, _i32)

            def _dd(dd, acc):
                colv = basec + ((dd + iota) & (DH - 1))
                qd = plsc.load_gather(qbuf, [rowv, colv])
                kd = plsc.load_gather(kbuf, [rowv, colv])
                return acc + qd * kd

            acc = lax.fori_loop(0, DH, _dd, zv, unroll=DH)
            ex = jnp.exp(acc * ISQ)
            plsc.store_scatter(exrow, [rowv, jnp.full((16,), h, _i32)], ex)
            return 0

        lax.fori_loop(0, (CH // 16) * H, _mh, 0, unroll=2)

    def _msg():
        def _mh2(m, _):
            g = m // H
            h = m - g * H
            rowv = g * 16 + iota
            basec = jnp.full((16,), h * DH, _i32)
            exv = plsc.load_gather(exrow, [rowv, jnp.full((16,), h, _i32)])

            def _dd(dd, _):
                colv = basec + ((dd + iota) & (DH - 1))
                vd = plsc.load_gather(vbuf, [rowv, colv])
                plsc.store_scatter(vbuf, [rowv, colv], vd * exv)
                return 0

            lax.fori_loop(0, DH, _dd, 0, unroll=DH)
            return 0

        lax.fori_loop(0, (CH // 16) * H, _mh2, 0, unroll=2)

    def _run_row(row):
        cl = cntb[row, :]
        cnt = jnp.max(cl)
        nch = jnp.maximum((cnt + (CH - 1)) // CH, 1)
        npair = (nch + 1) // 2
        nst = 2 * npair

        def _fetch_idx(i, y):
            pltpu.sync_copy(srcp_hbm.at[c, row, pl.ds(i * CH, CH)], sidxs[y])
            pltpu.sync_copy(dstp_hbm.at[c, row, pl.ds(i * CH, CH)], didxs[y])

        def _step(i, x, pc):
            y = 1 - x
            pltpu.make_async_copy(q_hbm.at[didxs[x]], qbufs[x], semg[x]).wait()
            pltpu.make_async_copy(k_hbm.at[sidxs[x]], kbufs[x], semg[x]).wait()
            _alpha(qbufs[x], kbufs[x])

            @pl.when(pc)
            def _():
                _fetch_idx(i + 1, y)
                pltpu.async_copy(q_hbm.at[didxs[y]], qbufs[y], semg[y])
                pltpu.async_copy(k_hbm.at[sidxs[y]], kbufs[y], semg[y])

            pltpu.make_async_copy(v_hbm.at[sidxs[x]], vbuf, semv).wait()
            _msg()
            for g in range(CH // 16):
                dv = didxs[x][pl.ds(g * 16, 16)] - nbase
                inb = (dv >= 0) & (dv < HALF)
                dloc[pl.ds(g * 16, 16)] = jnp.where(inb, dv, DUMP)
            pltpu.sync_copy(vbuf, acc_sp.at[dloc], add=True)
            pltpu.sync_copy(exrow, den_sp.at[dloc], add=True)

            @pl.when(pc)
            def _():
                pltpu.async_copy(v_hbm.at[sidxs[y]], vbuf, semv)

        _fetch_idx(0, 0)
        pltpu.async_copy(q_hbm.at[didxs[0]], qbufs[0], semg[0])
        pltpu.async_copy(k_hbm.at[sidxs[0]], kbufs[0], semg[0])
        pltpu.async_copy(v_hbm.at[sidxs[0]], vbuf, semv)

        def _pair(j, _):
            i0 = 2 * j
            _step(i0, 0, i0 + 1 < nst)
            _step(i0 + 1, 1, j + 1 < npair)
            return 0

        lax.fori_loop(0, npair, _pair, 0)

    _run_row(2 * s)
    _run_row(2 * s + 1)

    plsc.subcore_barrier()

    for t in range(-(-NZCH // NS)):
        ch = t * NS + s
        @pl.when(ch < NZCH)
        def _():
            pltpu.sync_copy(acc_sp.at[pl.ds(ch * 16, 16)],
                            acc_hbm.at[c, pl.ds(ch * 16, 16)])
            pltpu.sync_copy(den_sp.at[pl.ds(ch * 16, 16)],
                            den_hbm.at[c, pl.ds(ch * 16, 16)])


@jax.jit
def _sc_edge(q, k, v, srcp, dstp, cnt):
    mesh = plsc.VectorSubcoreMesh(core_axis_name="c", subcore_axis_name="s",
                                  num_cores=NC, num_subcores=NS)
    f = pl.kernel(
        _edge_body,
        out_type=[
            jax.ShapeDtypeStruct((NC, RPAD, D), _f32),
            jax.ShapeDtypeStruct((NC, RPAD, 16), _f32),
        ],
        mesh=mesh,
        compiler_params=pltpu.CompilerParams(use_tc_tiling_on_sc=False,
                                             needs_layout_passes=False),
        scratch_types=[
            [pltpu.VMEM((CH, D), _f32)] * 2,
            [pltpu.VMEM((CH, D), _f32)] * 2,
            pltpu.VMEM((CH, D), _f32),
            pltpu.VMEM((CH, 16), _f32),
            [pltpu.VMEM((CH,), _i32)] * 2,
            [pltpu.VMEM((CH,), _i32)] * 2,
            pltpu.VMEM((CH,), _i32),
            pltpu.VMEM((NW, 16), _i32),
            [pltpu.SemaphoreType.DMA] * 2,
            pltpu.SemaphoreType.DMA,
            pltpu.VMEM_SHARED((RPAD, D), _f32),
            pltpu.VMEM_SHARED((RPAD, 16), _f32),
        ],
    )
    zacc = jnp.zeros((16, D), _f32)
    zden = jnp.zeros((16, 16), _f32)
    return f(q, k, v, srcp, dstp, cnt, zacc, zden)



RB = 400
NB = N // RB



def _bn_affine(ps, pss, g, b):
    mean = jnp.sum(ps, axis=(0, 1)).reshape(1, D) / N
    ex2 = jnp.sum(pss, axis=(0, 1)).reshape(1, D) / N
    var = ex2 - mean * mean
    scale = g / jnp.sqrt(var + 1e-5)
    return scale, b - mean * scale


def _qkvs_body(z_ref, ps_ref, pss_ref, g_ref, b_ref, wq_ref, bq_ref,
               wk_ref, bk_ref, wv_ref, bv_ref, ws_ref, bs_ref,
               q_ref, k_ref, v_ref, xs_ref):
    sc, sh = _bn_affine(ps_ref[...], pss_ref[...], g_ref[...], b_ref[...])
    xn = z_ref[...] * sc + sh
    q_ref[...] = jnp.dot(xn, wq_ref[...], preferred_element_type=_f32) + bq_ref[...]
    k_ref[...] = jnp.dot(xn, wk_ref[...], preferred_element_type=_f32) + bk_ref[...]
    v_ref[...] = jnp.dot(xn, wv_ref[...], preferred_element_type=_f32) + bv_ref[...]
    xs_ref[...] = jnp.dot(xn, ws_ref[...], preferred_element_type=_f32) + bs_ref[...]


def _qkvs(z, ps, pss, g, b, wq, bq, wk, bk, wv, bv, ws, bs):
    full = pl.BlockSpec((D, D), lambda i: (0, 0))
    row1 = pl.BlockSpec((1, D), lambda i: (0, 0))
    blk = pl.BlockSpec((RB, D), lambda i: (i, 0))
    nps = ps.shape[0]
    psf = pl.BlockSpec((nps, 1, D), lambda i: (0, 0, 0))
    return pl.pallas_call(
        _qkvs_body,
        grid=(NB,),
        in_specs=[blk, psf, psf, row1, row1, full, row1, full, row1, full,
                  row1, full, row1],
        out_specs=[blk, blk, blk, blk],
        out_shape=[jax.ShapeDtypeStruct((N, D), _f32)] * 4,
    )(z, ps, pss, g, b, wq, bq, wk, bk, wv, bv, ws, bs)


def _comb_body(acc_ref, den_ref, xs_ref, y_ref, ps_ref, pss_ref):
    a = acc_ref[0].reshape(RBC, H, DH)
    d = den_ref[0][:, :H]
    safe = jnp.where(d > 0.0, d, 1.0)
    msg = jnp.where(d[:, :, None] > 0.0, a / safe[:, :, None], 0.0)
    y = msg.reshape(RBC, D) + xs_ref[...]
    y_ref[...] = y
    ps_ref[0] = jnp.sum(y, axis=0, keepdims=True)
    pss_ref[0] = jnp.sum(y * y, axis=0, keepdims=True)


RBC = 200
NBC = N // RBC


def _combine(acc, den, xs):
    per = HALF // RBC
    return pl.pallas_call(
        _comb_body,
        grid=(NBC,),
        in_specs=[
            pl.BlockSpec((1, RBC, D), lambda b: (b // per, b % per, 0)),
            pl.BlockSpec((1, RBC, 16), lambda b: (b // per, b % per, 0)),
            pl.BlockSpec((RBC, D), lambda b: (b, 0)),
        ],
        out_specs=[
            pl.BlockSpec((RBC, D), lambda b: (b, 0)),
            pl.BlockSpec((1, 1, D), lambda b: (b, 0, 0)),
            pl.BlockSpec((1, 1, D), lambda b: (b, 0, 0)),
        ],
        out_shape=[
            jax.ShapeDtypeStruct((N, D), _f32),
            jax.ShapeDtypeStruct((NBC, 1, D), _f32),
            jax.ShapeDtypeStruct((NBC, 1, D), _f32),
        ],
    )(acc, den, xs)


def _ffn_body(y_ref, psi_ref, pssi_ref, g_ref, b_ref, w1_ref, b1_ref,
              w2_ref, b2_ref, z_ref, ps_ref, pss_ref):
    sc, sh = _bn_affine(psi_ref[...], pssi_ref[...], g_ref[...], b_ref[...])
    xb = y_ref[...] * sc + sh
    h = jnp.dot(xb, w1_ref[...], preferred_element_type=_f32) + b1_ref[...]
    h = jnp.maximum(h, 0.0)
    z = jnp.dot(h, w2_ref[...], preferred_element_type=_f32) + b2_ref[...]
    z_ref[...] = z
    ps_ref[0] = jnp.sum(z, axis=0, keepdims=True)
    pss_ref[0] = jnp.sum(z * z, axis=0, keepdims=True)


def _ffn(y, psi, pssi, g, b, w1, b1, w2, b2):
    return pl.pallas_call(
        _ffn_body,
        grid=(NB,),
        in_specs=[
            pl.BlockSpec((RB, D), lambda i: (i, 0)),
            pl.BlockSpec((NBC, 1, D), lambda i: (0, 0, 0)),
            pl.BlockSpec((NBC, 1, D), lambda i: (0, 0, 0)),
            pl.BlockSpec((1, D), lambda i: (0, 0)),
            pl.BlockSpec((1, D), lambda i: (0, 0)),
            pl.BlockSpec((D, F), lambda i: (0, 0)),
            pl.BlockSpec((1, F), lambda i: (0, 0)),
            pl.BlockSpec((F, D), lambda i: (0, 0)),
            pl.BlockSpec((1, D), lambda i: (0, 0)),
        ],
        out_specs=[
            pl.BlockSpec((RB, D), lambda b: (b, 0)),
            pl.BlockSpec((1, 1, D), lambda b: (b, 0, 0)),
            pl.BlockSpec((1, 1, D), lambda b: (b, 0, 0)),
        ],
        out_shape=[
            jax.ShapeDtypeStruct((N, D), _f32),
            jax.ShapeDtypeStruct((NB, 1, D), _f32),
            jax.ShapeDtypeStruct((NB, 1, D), _f32),
        ],
    )(y, psi, pssi, g, b, w1, b1, w2, b2)


def _apply_body(z_ref, ps_ref, pss_ref, g_ref, b_ref, o_ref):
    sc, sh = _bn_affine(ps_ref[...], pss_ref[...], g_ref[...], b_ref[...])
    o_ref[...] = z_ref[...] * sc + sh


def _apply(z, ps, pss, g, b):
    return pl.pallas_call(
        _apply_body,
        grid=(NB,),
        in_specs=[
            pl.BlockSpec((RB, D), lambda i: (i, 0)),
            pl.BlockSpec((NB, 1, D), lambda i: (0, 0, 0)),
            pl.BlockSpec((NB, 1, D), lambda i: (0, 0, 0)),
            pl.BlockSpec((1, D), lambda i: (0, 0)),
            pl.BlockSpec((1, D), lambda i: (0, 0)),
        ],
        out_specs=pl.BlockSpec((RB, D), lambda i: (i, 0)),
        out_shape=jax.ShapeDtypeStruct((N, D), _f32),
    )(z, ps, pss, g, b)




def kernel(x, edge_index, Wq, bq, Wk, bk, Wv, bv, Ws, bs, bn1_g, bn1_b,
           W1, b1, W2, b2, bn2_g, bn2_b):
    src = edge_index[0].astype(_i32)
    dst = edge_index[1].astype(_i32)
    pad = EPAD - E
    src = jnp.concatenate([src, jnp.zeros((pad,), _i32)])
    dst = jnp.concatenate([dst, jnp.full((pad,), N, _i32)])
    srcp, dstp, ecnt = _sc_part(src, dst)
    z = x
    ps2 = jnp.zeros((1, 1, D), _f32)
    pss2 = jnp.full((1, 1, D), N * (1.0 - 1e-5), _f32)
    gg = jnp.ones((1, D), _f32)
    bb = jnp.zeros((1, D), _f32)
    for l in range(L):
        q, k, v, xs = _qkvs(z, ps2, pss2, gg, bb,
                            Wq[l], bq[l].reshape(1, D),
                            Wk[l], bk[l].reshape(1, D),
                            Wv[l], bv[l].reshape(1, D),
                            Ws[l], bs[l].reshape(1, D))
        acc, den = _sc_edge(q, k, v, srcp, dstp, ecnt)
        y, ps, pss = _combine(acc, den, xs)
        z, ps2, pss2 = _ffn(y, ps, pss, bn1_g[l].reshape(1, D),
                            bn1_b[l].reshape(1, D), W1[l],
                            b1[l].reshape(1, F), W2[l], b2[l].reshape(1, D))
        gg = bn2_g[l].reshape(1, D)
        bb = bn2_b[l].reshape(1, D)
    return _apply(z, ps2, pss2, gg, bb)

# --- scband reference (transcript-rebuilt; emitter-appended) ---
"""Pipeline reference for scband-gnnencoder-23467701305573 (READ-ONLY COPY).

The authoritative reference and input builder live on the scoring server;
editing this copy changes nothing except your own understanding.
"""

import jax, jax.numpy as jnp
import numpy as np

N = 10000
E = 160000
D = 256
H = 8
L = 3
F = 512
DH = D // H

def _bn(x, g, b):
    mean = jnp.mean(x, axis=0)
    var = jnp.var(x, axis=0)
    return (x - mean) / jnp.sqrt(var + 1e-5) * g + b

def _forward(x, edge_index, Wq, bq, Wk, bk, Wv, bv, Ws, bs, bn1_g, bn1_b, W1, b1, W2, b2, bn2_g, bn2_b):
    src = edge_index[0]
    dst = edge_index[1]
    n = x.shape[0]
    for l in range(L):
        q = (x @ Wq[l] + bq[l]).reshape(n, H, DH)
        k = (x @ Wk[l] + bk[l]).reshape(n, H, DH)
        v = (x @ Wv[l] + bv[l]).reshape(n, H, DH)
        alpha = jnp.sum(q[dst] * k[src], axis=-1) / np.sqrt(DH)
        m = jax.ops.segment_max(alpha, dst, num_segments=n)
        m = jax.lax.stop_gradient(jnp.where(jnp.isfinite(m), m, 0.0))
        ex = jnp.exp(alpha - m[dst])
        denom = jax.ops.segment_sum(ex, dst, num_segments=n)
        a = ex / denom[dst]
        msg = v[src] * a[:, :, None]
        out = jax.ops.segment_sum(msg, dst, num_segments=n).reshape(n, D)
        x = out + x @ Ws[l] + bs[l]
        x = _bn(x, bn1_g[l], bn1_b[l])
        h = jnp.maximum(x @ W1[l] + b1[l], 0.0)
        h = h @ W2[l] + b2[l]
        x = _bn(h, bn2_g[l], bn2_b[l])
    return x

def setup_inputs(seed: int = 0):
    key = jax.random.key(seed)
    ks = jax.random.split(key, 10)
    x = jax.random.normal(ks[0], (N, D), dtype=jnp.float32)
    edge_index = jax.random.randint(ks[1], (2, E), 0, N)
    s = 1.0 / np.sqrt(D)
    return {
        'x': x,
        'edge_index': edge_index,
        'Wq': jax.random.normal(ks[2], (L, D, D), dtype=jnp.float32) * s,
        'bq': jnp.zeros((L, D), dtype=jnp.float32),
        'Wk': jax.random.normal(ks[3], (L, D, D), dtype=jnp.float32) * s,
        'bk': jnp.zeros((L, D), dtype=jnp.float32),
        'Wv': jax.random.normal(ks[4], (L, D, D), dtype=jnp.float32) * s,
        'bv': jnp.zeros((L, D), dtype=jnp.float32),
        'Ws': jax.random.normal(ks[5], (L, D, D), dtype=jnp.float32) * s,
        'bs': jnp.zeros((L, D), dtype=jnp.float32),
        'bn1_g': jnp.ones((L, D), dtype=jnp.float32),
        'bn1_b': jnp.zeros((L, D), dtype=jnp.float32),
        'W1': jax.random.normal(ks[6], (L, D, F), dtype=jnp.float32) * s,
        'b1': jnp.zeros((L, F), dtype=jnp.float32),
        'W2': jax.random.normal(ks[7], (L, F, D), dtype=jnp.float32) * (1.0 / np.sqrt(F)),
        'b2': jnp.zeros((L, D), dtype=jnp.float32),
        'bn2_g': jnp.ones((L, D), dtype=jnp.float32),
        'bn2_b': jnp.zeros((L, D), dtype=jnp.float32),
    }

def reference(x, edge_index, Wq, bq, Wk, bk, Wv, bv, Ws, bs, bn1_g, bn1_b, W1, b1, W2, b2, bn2_g, bn2_b):
    return _forward(x, edge_index, Wq, bq, Wk, bk, Wv, bv, Ws, bs, bn1_g, bn1_b, W1, b1, W2, b2, bn2_g, bn2_b)

if __name__ == "__main__":
    import jax
    _d = setup_inputs()
    print(jax.jit(kernel)(*tuple(_d.values())))

</pallas_src>

<mosaic_0001>
#map = affine_map<(d0, d1) -> (0)>
#map1 = affine_map<(d0, d1) -> (0, 0, 0)>
module attributes {stable_mosaic.version = 14 : i64} {
  func.func @_part_body(%arg0: i32, %arg1: i32, %arg2: memref<160768xi32, #tpu.memory_space<hbm>>, %arg3: memref<160768xi32, #tpu.memory_space<hbm>>, %arg4: memref<2x32x5056xi32, #tpu.memory_space<hbm>>, %arg5: memref<2x32x5056xi32, #tpu.memory_space<hbm>>, %arg6: memref<2x32x16xi32, #tpu.memory_space<hbm>>, %arg7: memref<5024xi32, #tpu.memory_space<vmem>>, %arg8: memref<5024xi32, #tpu.memory_space<vmem>>, %arg9: memref<5056xi32, #tpu.memory_space<vmem>>, %arg10: memref<5056xi32, #tpu.memory_space<vmem>>, %arg11: memref<5056xi32, #tpu.memory_space<vmem>>, %arg12: memref<5056xi32, #tpu.memory_space<vmem>>, %arg13: memref<16xi32, #tpu.memory_space<vmem>>, %arg14: memref<16xi32, #tpu.memory_space<vmem>>) attributes {dimension_semantics = [#tpu.dimension_semantics<core_parallel>, #tpu.dimension_semantics<subcore_parallel>], iteration_bounds = array<i64: 2, 16>, scalar_prefetch = 0 : i64, scratch_operands = 8 : i64, tpu.core_type = #tpu.core_type<sc_vector_subcore>, window_params = [{transform_indices = #map}, {transform_indices = #map}, {transform_indices = #map1}, {transform_indices = #map1}, {transform_indices = #map1}]} {
    %mul3A = arith.constant 16 : i32
    %mul3A_0 = arith.muli %arg0, %mul3A : i32
    %add3A = arith.addi %mul3A_0, %arg1 : i32
    %iota3A = tpu.iota {dimensions = array<i32: 0>} : vector<16xi32>
    %scan3A = arith.constant 0 : i32
    %scan3A_1 = arith.constant 0 : i32
    %scan3A_2 = arith.constant 316 : i32
    %scan3A_3 = arith.addi %scan3A_1, %scan3A_2 : i32
    %scan3A_4 = arith.constant 1 : i32
    %scan3A_5 = scf.for %scan3A_34 = %scan3A_1 to %scan3A_3 step %scan3A_4 iter_args(%scan3A_35 = %scan3A) -> (i32)  : i32 {
      %mul3A_36 = arith.constant 16 : i32
      %mul3A_37 = arith.muli %scan3A_34, %mul3A_36 : i32
      %broadcast_in_dim3A_38 = arith.constant 0 : i32
      %broadcast_in_dim3A_39 = vector.broadcast %broadcast_in_dim3A_38 : i32 to vector<16xi32>
      %swap3A_40 = arith.index_cast %mul3A_37 : i32 to index
      %swap3A_41 = tpu.vector_load %arg9[%swap3A_40] {strides = array<i32>} : memref<5056xi32, #tpu.memory_space<vmem>>, vector<16xi32>,
      tpu.vector_store %arg9[%swap3A_40], %broadcast_in_dim3A_39 {strides = array<i32>} : memref<5056xi32, #tpu.memory_space<vmem>>, vector<16xi32>,
      %broadcast_in_dim3A_42 = arith.constant 0 : i32
      %broadcast_in_dim3A_43 = vector.broadcast %broadcast_in_dim3A_42 : i32 to vector<16xi32>
      %swap3A_44 = arith.index_cast %mul3A_37 : i32 to index
      %swap3A_45 = tpu.vector_load %arg11[%swap3A_44] {strides = array<i32>} : memref<5056xi32, #tpu.memory_space<vmem>>, vector<16xi32>,
      tpu.vector_store %arg11[%swap3A_44], %broadcast_in_dim3A_43 {strides = array<i32>} : memref<5056xi32, #tpu.memory_space<vmem>>, vector<16xi32>,
      %broadcast_in_dim3A_46 = arith.constant 10000 : i32
      %broadcast_in_dim3A_47 = vector.broadcast %broadcast_in_dim3A_46 : i32 to vector<16xi32>
      %swap3A_48 = arith.index_cast %mul3A_37 : i32 to index
      %swap3A_49 = tpu.vector_load %arg10[%swap3A_48] {strides = array<i32>} : memref<5056xi32, #tpu.memory_space<vmem>>, vector<16xi32>,
      tpu.vector_store %arg10[%swap3A_48], %broadcast_in_dim3A_47 {strides = array<i32>} : memref<5056xi32, #tpu.memory_space<vmem>>, vector<16xi32>,
      %broadcast_in_dim3A_50 = arith.constant 10000 : i32
      %broadcast_in_dim3A_51 = vector.broadcast %broadcast_in_dim3A_50 : i32 to vector<16xi32>
      %swap3A_52 = arith.index_cast %mul3A_37 : i32 to index
      %swap3A_53 = tpu.vector_load %arg12[%swap3A_52] {strides = array<i32>} : memref<5056xi32, #tpu.memory_space<vmem>>, vector<16xi32>,
      tpu.vector_store %arg12[%swap3A_52], %broadcast_in_dim3A_51 {strides = array<i32>} : memref<5056xi32, #tpu.memory_space<vmem>>, vector<16xi32>,
      %scan3A_54 = arith.constant 0 : i32
      scf.yield %scan3A_54 : i32
    }
    %scan3A_6 = arith.constant 316 : i32
    %mul3A_7 = arith.constant 5024 : i32
    %mul3A_8 = arith.muli %add3A, %mul3A_7 : i32
    "tpu.region"() ({
      %run_scoped3A_34 = tpu.sem_alloc : memref<!tpu.dma_semaphore, #tpu.memory_space<semaphore_mem>>
      %dma_start3A = tpu.memref_slice %arg2[%mul3A_8] : memref<160768xi32, #tpu.memory_space<hbm>> -> memref<5024xi32, #tpu.memory_space<hbm>>
      %dma_start3A_35 = tpu.memref_slice %arg2[%mul3A_8] : memref<160768xi32, #tpu.memory_space<hbm>> -> memref<5024xi32, #tpu.memory_space<hbm>>
      tpu.enqueue_dma source(%dma_start3A_35 : memref<5024xi32, #tpu.memory_space<hbm>>) target(%arg7 : memref<5024xi32, #tpu.memory_space<vmem>>) target_semaphore(%run_scoped3A_34 : memref<!tpu.dma_semaphore, #tpu.memory_space<semaphore_mem>>)
      %dma_wait3A = tpu.memref_slice %arg2[%mul3A_8] : memref<160768xi32, #tpu.memory_space<hbm>> -> memref<5024xi32, #tpu.memory_space<hbm>>
      %dma_wait3A_36 = tpu.memref_slice %arg2[%mul3A_8] : memref<160768xi32, #tpu.memory_space<hbm>> -> memref<5024xi32, #tpu.memory_space<hbm>>
      tpu.wait_dma2 semaphore(%run_scoped3A_34 : memref<!tpu.dma_semaphore, #tpu.memory_space<semaphore_mem>>) src(%dma_wait3A_36 : memref<5024xi32, #tpu.memory_space<hbm>>) dst(%arg7 : memref<5024xi32, #tpu.memory_space<vmem>>)
      tpu.yield
    }) : () -> ()
    %mul3A_9 = arith.constant 5024 : i32
    %mul3A_10 = arith.muli %add3A, %mul3A_9 : i32
    "tpu.region"() ({
      %run_scoped3A_34 = tpu.sem_alloc : memref<!tpu.dma_semaphore, #tpu.memory_space<semaphore_mem>>
      %dma_start3A = tpu.memref_slice %arg3[%mul3A_10] : memref<160768xi32, #tpu.memory_space<hbm>> -> memref<5024xi32, #tpu.memory_space<hbm>>
      %dma_start3A_35 = tpu.memref_slice %arg3[%mul3A_10] : memref<160768xi32, #tpu.memory_space<hbm>> -> memref<5024xi32, #tpu.memory_space<hbm>>
      tpu.enqueue_dma source(%dma_start3A_35 : memref<5024xi32, #tpu.memory_space<hbm>>) target(%arg8 : memref<5024xi32, #tpu.memory_space<vmem>>) target_semaphore(%run_scoped3A_34 : memref<!tpu.dma_semaphore, #tpu.memory_space<semaphore_mem>>)
      %dma_wait3A = tpu.memref_slice %arg3[%mul3A_10] : memref<160768xi32, #tpu.memory_space<hbm>> -> memref<5024xi32, #tpu.memory_space<hbm>>
      %dma_wait3A_36 = tpu.memref_slice %arg3[%mul3A_10] : memref<160768xi32, #tpu.memory_space<hbm>> -> memref<5024xi32, #tpu.memory_space<hbm>>
      tpu.wait_dma2 semaphore(%run_scoped3A_34 : memref<!tpu.dma_semaphore, #tpu.memory_space<semaphore_mem>>) src(%dma_wait3A_36 : memref<5024xi32, #tpu.memory_space<hbm>>) dst(%arg8 : memref<5024xi32, #tpu.memory_space<vmem>>)
      tpu.yield
    }) : () -> ()
    %scan3A_11 = arith.constant 0 : i32
    %scan3A_12 = arith.constant 0 : i32
    %scan3A_13 = arith.constant 0 : i32
    %scan3A_14 = arith.constant 314 : i32
    %scan3A_15 = arith.addi %scan3A_13, %scan3A_14 : i32
    %scan3A_16 = arith.constant 1 : i32
    %scan3A_17:2 = scf.for %scan3A_34 = %scan3A_13 to %scan3A_15 step %scan3A_16 iter_args(%scan3A_35 = %scan3A_11, %scan3A_36 = %scan3A_12) -> (i32, i32)  : i32 {
      %mul3A_37 = arith.constant 16 : i32
      %mul3A_38 = arith.muli %scan3A_34, %mul3A_37 : i32
      %get3A = arith.index_cast %mul3A_38 : i32 to index
      %get3A_39 = tpu.vector_load %arg7[%get3A] {strides = array<i32>} : memref<5024xi32, #tpu.memory_space<vmem>>, vector<16xi32>,
      %mul3A_40 = arith.constant 16 : i32
      %mul3A_41 = arith.muli %scan3A_34, %mul3A_40 : i32
      %get3A_42 = arith.index_cast %mul3A_41 : i32 to index
      %get3A_43 = tpu.vector_load %arg8[%get3A_42] {strides = array<i32>} : memref<5024xi32, #tpu.memory_space<vmem>>, vector<16xi32>,
      %lt3A = arith.constant 5000 : i32
      %lt3A_44 = vector.broadcast %lt3A : i32 to vector<16xi32>
      %lt3A_45 = arith.cmpi slt, %get3A_43, %lt3A_44 : vector<16xi32>
      %swap3A_46 = arith.index_cast %scan3A_35 : i32 to index
      %swap3A_47 = tpu.vector_load %arg9[%swap3A_46] masked %lt3A_45 {strides = array<i32>} : memref<5056xi32, #tpu.memory_space<vmem>>, vector<16xi32>, vector<16xi1>
      tpu.vector_store %arg9[%swap3A_46], %get3A_39 masked %lt3A_45 {strides = array<i32>} : memref<5056xi32, #tpu.memory_space<vmem>>, vector<16xi32>, vector<16xi1>
      %swap3A_48 = arith.index_cast %scan3A_35 : i32 to index
      %swap3A_49 = tpu.vector_load %arg10[%swap3A_48] masked %lt3A_45 {strides = array<i32>} : memref<5056xi32, #tpu.memory_space<vmem>>, vector<16xi32>, vector<16xi1>
      tpu.vector_store %arg10[%swap3A_48], %get3A_43 masked %lt3A_45 {strides = array<i32>} : memref<5056xi32, #tpu.memory_space<vmem>>, vector<16xi32>, vector<16xi1>
      %not3A = arith.constant dense<true> : vector<16xi1>
      %not3A_50 = arith.xori %lt3A_45, %not3A : vector<16xi1>
      %swap3A_51 = arith.index_cast %scan3A_36 : i32 to index
      %swap3A_52 = tpu.vector_load %arg11[%swap3A_51] masked %not3A_50 {strides = array<i32>} : memref<5056xi32, #tpu.memory_space<vmem>>, vector<16xi32>, vector<16xi1>
      tpu.vector_store %arg11[%swap3A_51], %get3A_39 masked %not3A_50 {strides = array<i32>} : memref<5056xi32, #tpu.memory_space<vmem>>, vector<16xi32>, vector<16xi1>
      %not3A_53 = arith.constant dense<true> : vector<16xi1>
      %not3A_54 = arith.xori %lt3A_45, %not3A_53 : vector<16xi1>
      %swap3A_55 = arith.index_cast %scan3A_36 : i32 to index
      %swap3A_56 = tpu.vector_load %arg12[%swap3A_55] masked %not3A_54 {strides = array<i32>} : memref<5056xi32, #tpu.memory_space<vmem>>, vector<16xi32>, vector<16xi1>
      tpu.vector_store %arg12[%swap3A_55], %get3A_43 masked %not3A_54 {strides = array<i32>} : memref<5056xi32, #tpu.memory_space<vmem>>, vector<16xi32>, vector<16xi1>
      %all_reduce_population_count3A = tpu.all_reduce %lt3A_45 {dim = 0 : i64, kind = #tpu.reduction_kind<sum>} : vector<16xi1> -> vector<16xi32>
      %reduce_max3A = arith.constant true
      %reduce_max3A_57 = vector.broadcast %reduce_max3A : i1 to vector<16xi1>
      %reduce_max3A_58 = arith.constant -2147483648 : i32
      %reduce_max3A_59 = vector.broadcast %reduce_max3A_58 : i32 to vector<16xi32>
      %reduce_max3A_60 = arith.xori %all_reduce_population_count3A, %reduce_max3A_59 : vector<16xi32>
      %reduce_max3A_61 = tpu.scan <max>, %reduce_max3A_60 masked %reduce_max3A_57 : vector<16xi32>, vector<16xi1> -> vector<16xi32>
      %reduce_max3A_62 = arith.xori %reduce_max3A_61, %reduce_max3A_59 : vector<16xi32>
      %reduce_max3A_63 = vector.extract %reduce_max3A_62[15] : i32 from vector<16xi32>
      %add3A_64 = arith.addi %scan3A_35, %reduce_max3A_63 : i32
      %sub3A = arith.constant 16 : i32
      %sub3A_65 = arith.subi %sub3A, %reduce_max3A_63 : i32
      %add3A_66 = arith.addi %scan3A_36, %sub3A_65 : i32
      scf.yield %add3A_64, %add3A_66 : i32, i32
    }
    %scan3A_18 = arith.constant 314 : i32
    %broadcast_in_dim3A = arith.constant 1 : i32
    %broadcast_in_dim3A_19 = vector.broadcast %broadcast_in_dim3A : i32 to vector<16xi32>
    %mul3A_20 = vector.broadcast %scan3A_17#0 : i32 to vector<16xi32>
    %mul3A_21 = arith.muli %broadcast_in_dim3A_19, %mul3A_20 : vector<16xi32>
    %swap3A = arith.constant 0 : index
    %swap3A_22 = tpu.vector_load %arg13[%swap3A] {strides = array<i32>} : memref<16xi32, #tpu.memory_space<vmem>>, vector<16xi32>,
    tpu.vector_store %arg13[%swap3A], %mul3A_21 {strides = array<i32>} : memref<16xi32, #tpu.memory_space<vmem>>, vector<16xi32>,
    %broadcast_in_dim3A_23 = arith.constant 1 : i32
    %broadcast_in_dim3A_24 = vector.broadcast %broadcast_in_dim3A_23 : i32 to vector<16xi32>
    %mul3A_25 = vector.broadcast %scan3A_17#1 : i32 to vector<16xi32>
    %mul3A_26 = arith.muli %broadcast_in_dim3A_24, %mul3A_25 : vector<16xi32>
    %swap3A_27 = arith.constant 0 : index
    %swap3A_28 = tpu.vector_load %arg14[%swap3A_27] {strides = array<i32>} : memref<16xi32, #tpu.memory_space<vmem>>, vector<16xi32>,
    tpu.vector_store %arg14[%swap3A_27], %mul3A_26 {strides = array<i32>} : memref<16xi32, #tpu.memory_space<vmem>>, vector<16xi32>,
    %run_scoped3A = arith.constant 0 : i32
    "tpu.region"() ({
      %run_scoped3A_34 = tpu.sem_alloc : memref<!tpu.dma_semaphore, #tpu.memory_space<semaphore_mem>>
      %dma_start3A = arith.constant 0 : i32
      %dma_start3A_35 = tpu.memref_slice %arg4[%run_scoped3A, %add3A, %dma_start3A] : memref<2x32x5056xi32, #tpu.memory_space<hbm>> -> memref<1x1x5056xi32, #tpu.memory_space<hbm>>
      %dma_start3A_36 = tpu.memref_squeeze %dma_start3A_35 : memref<1x1x5056xi32, #tpu.memory_space<hbm>> -> memref<5056xi32, #tpu.memory_space<hbm>>
      %dma_start3A_37 = arith.constant 0 : i32
      %dma_start3A_38 = tpu.memref_slice %arg4[%run_scoped3A, %add3A, %dma_start3A_37] : memref<2x32x5056xi32, #tpu.memory_space<hbm>> -> memref<1x1x5056xi32, #tpu.memory_space<hbm>>
      %dma_start3A_39 = tpu.memref_squeeze %dma_start3A_38 : memref<1x1x5056xi32, #tpu.memory_space<hbm>> -> memref<5056xi32, #tpu.memory_space<hbm>>
      tpu.enqueue_dma source(%arg9 : memref<5056xi32, #tpu.memory_space<vmem>>) target(%dma_start3A_39 : memref<5056xi32, #tpu.memory_space<hbm>>) target_semaphore(%run_scoped3A_34 : memref<!tpu.dma_semaphore, #tpu.memory_space<semaphore_mem>>)
      %dma_wait3A = arith.constant 0 : i32
      %dma_wait3A_40 = tpu.memref_slice %arg4[%run_scoped3A, %add3A, %dma_wait3A] : memref<2x32x5056xi32, #tpu.memory_space<hbm>> -> memref<1x1x5056xi32, #tpu.memory_space<hbm>>
      %dma_wait3A_41 = tpu.memref_squeeze %dma_wait3A_40 : memref<1x1x5056xi32, #tpu.memory_space<hbm>> -> memref<5056xi32, #tpu.memory_space<hbm>>
      %dma_wait3A_42 = arith.constant 0 : i32
      %dma_wait3A_43 = tpu.memref_slice %arg4[%run_scoped3A, %add3A, %dma_wait3A_42] : memref<2x32x5056xi32, #tpu.memory_space<hbm>> -> memref<1x1x5056xi32, #tpu.memory_space<hbm>>
      %dma_wait3A_44 = tpu.memref_squeeze %dma_wait3A_43 : memref<1x1x5056xi32, #tpu.memory_space<hbm>> -> memref<5056xi32, #tpu.memory_space<hbm>>
      tpu.wait_dma2 semaphore(%run_scoped3A_34 : memref<!tpu.dma_semaphore, #tpu.memory_space<semaphore_mem>>) src(%arg9 : memref<5056xi32, #tpu.memory_space<vmem>>) dst(%dma_wait3A_44 : memref<5056xi32, #tpu.memory_space<hbm>>)
      tpu.yield
    }) : () -> ()
    %run_scoped3A_29 = arith.constant 0 : i32
    "tpu.region"() ({
      %run_scoped3A_34 = tpu.sem_alloc : memref<!tpu.dma_semaphore, #tpu.memory_space<semaphore_mem>>
      %dma_start3A = arith.constant 0 : i32
      %dma_start3A_35 = tpu.memref_slice %arg5[%run_scoped3A_29, %add3A, %dma_start3A] : memref<2x32x5056xi32, #tpu.memory_space<hbm>> -> memref<1x1x5056xi32, #tpu.memory_space<hbm>>
      %dma_start3A_36 = tpu.memref_squeeze %dma_start3A_35 : memref<1x1x5056xi32, #tpu.memory_space<hbm>> -> memref<5056xi32, #tpu.memory_space<hbm>>
      %dma_start3A_37 = arith.constant 0 : i32
      %dma_start3A_38 = tpu.memref_slice %arg5[%run_scoped3A_29, %add3A, %dma_start3A_37] : memref<2x32x5056xi32, #tpu.memory_space<hbm>> -> memref<1x1x5056xi32, #tpu.memory_space<hbm>>
      %dma_start3A_39 = tpu.memref_squeeze %dma_start3A_38 : memref<1x1x5056xi32, #tpu.memory_space<hbm>> -> memref<5056xi32, #tpu.memory_space<hbm>>
      tpu.enqueue_dma source(%arg10 : memref<5056xi32, #tpu.memory_space<vmem>>) target(%dma_start3A_39 : memref<5056xi32, #tpu.memory_space<hbm>>) target_semaphore(%run_scoped3A_34 : memref<!tpu.dma_semaphore, #tpu.memory_space<semaphore_mem>>)
      %dma_wait3A = arith.constant 0 : i32
      %dma_wait3A_40 = tpu.memref_slice %arg5[%run_scoped3A_29, %add3A, %dma_wait3A] : memref<2x32x5056xi32, #tpu.memory_space<hbm>> -> memref<1x1x5056xi32, #tpu.memory_space<hbm>>
      %dma_wait3A_41 = tpu.memref_squeeze %dma_wait3A_40 : memref<1x1x5056xi32, #tpu.memory_space<hbm>> -> memref<5056xi32, #tpu.memory_space<hbm>>
      %dma_wait3A_42 = arith.constant 0 : i32
      %dma_wait3A_43 = tpu.memref_slice %arg5[%run_scoped3A_29, %add3A, %dma_wait3A_42] : memref<2x32x5056xi32, #tpu.memory_space<hbm>> -> memref<1x1x5056xi32, #tpu.memory_space<hbm>>
      %dma_wait3A_44 = tpu.memref_squeeze %dma_wait3A_43 : memref<1x1x5056xi32, #tpu.memory_space<hbm>> -> memref<5056xi32, #tpu.memory_space<hbm>>
      tpu.wait_dma2 semaphore(%run_scoped3A_34 : memref<!tpu.dma_semaphore, #tpu.memory_space<semaphore_mem>>) src(%arg10 : memref<5056xi32, #tpu.memory_space<vmem>>) dst(%dma_wait3A_44 : memref<5056xi32, #tpu.memory_space<hbm>>)
      tpu.yield
    }) : () -> ()
    %run_scoped3A_30 = arith.constant 1 : i32
    "tpu.region"() ({
      %run_scoped3A_34 = tpu.sem_alloc : memref<!tpu.dma_semaphore, #tpu.memory_space<semaphore_mem>>
      %dma_start3A = arith.constant 0 : i32
      %dma_start3A_35 = tpu.memref_slice %arg4[%run_scoped3A_30, %add3A, %dma_start3A] : memref<2x32x5056xi32, #tpu.memory_space<hbm>> -> memref<1x1x5056xi32, #tpu.memory_space<hbm>>
      %dma_start3A_36 = tpu.memref_squeeze %dma_start3A_35 : memref<1x1x5056xi32, #tpu.memory_space<hbm>> -> memref<5056xi32, #tpu.memory_space<hbm>>
      %dma_start3A_37 = arith.constant 0 : i32
      %dma_start3A_38 = tpu.memref_slice %arg4[%run_scoped3A_30, %add3A, %dma_start3A_37] : memref<2x32x5056xi32, #tpu.memory_space<hbm>> -> memref<1x1x5056xi32, #tpu.memory_space<hbm>>
      %dma_start3A_39 = tpu.memref_squeeze %dma_start3A_38 : memref<1x1x5056xi32, #tpu.memory_space<hbm>> -> memref<5056xi32, #tpu.memory_space<hbm>>
      tpu.enqueue_dma source(%arg11 : memref<5056xi32, #tpu.memory_space<vmem>>) target(%dma_start3A_39 : memref<5056xi32, #tpu.memory_space<hbm>>) target_semaphore(%run_scoped3A_34 : memref<!tpu.dma_semaphore, #tpu.memory_space<semaphore_mem>>)
      %dma_wait3A = arith.constant 0 : i32
      %dma_wait3A_40 = tpu.memref_slice %arg4[%run_scoped3A_30, %add3A, %dma_wait3A] : memref<2x32x5056xi32, #tpu.memory_space<hbm>> -> memref<1x1x5056xi32, #tpu.memory_space<hbm>>
      %dma_wait3A_41 = tpu.memref_squeeze %dma_wait3A_40 : memref<1x1x5056xi32, #tpu.memory_space<hbm>> -> memref<5056xi32, #tpu.memory_space<hbm>>
      %dma_wait3A_42 = arith.constant 0 : i32
      %dma_wait3A_43 = tpu.memref_slice %arg4[%run_scoped3A_30, %add3A, %dma_wait3A_42] : memref<2x32x5056xi32, #tpu.memory_space<hbm>> -> memref<1x1x5056xi32, #tpu.memory_space<hbm>>
      %dma_wait3A_44 = tpu.memref_squeeze %dma_wait3A_43 : memref<1x1x5056xi32, #tpu.memory_space<hbm>> -> memref<5056xi32, #tpu.memory_space<hbm>>
      tpu.wait_dma2 semaphore(%run_scoped3A_34 : memref<!tpu.dma_semaphore, #tpu.memory_space<semaphore_mem>>) src(%arg11 : memref<5056xi32, #tpu.memory_space<vmem>>) dst(%dma_wait3A_44 : memref<5056xi32, #tpu.memory_space<hbm>>)
      tpu.yield
    }) : () -> ()
    %run_scoped3A_31 = arith.constant 1 : i32
    "tpu.region"() ({
      %run_scoped3A_34 = tpu.sem_alloc : memref<!tpu.dma_semaphore, #tpu.memory_space<semaphore_mem>>
      %dma_start3A = arith.constant 0 : i32
      %dma_start3A_35 = tpu.memref_slice %arg5[%run_scoped3A_31, %add3A, %dma_start3A] : memref<2x32x5056xi32, #tpu.memory_space<hbm>> -> memref<1x1x5056xi32, #tpu.memory_space<hbm>>
      %dma_start3A_36 = tpu.memref_squeeze %dma_start3A_35 : memref<1x1x5056xi32, #tpu.memory_space<hbm>> -> memref<5056xi32, #tpu.memory_space<hbm>>
      %dma_start3A_37 = arith.constant 0 : i32
      %dma_start3A_38 = tpu.memref_slice %arg5[%run_scoped3A_31, %add3A, %dma_start3A_37] : memref<2x32x5056xi32, #tpu.memory_space<hbm>> -> memref<1x1x5056xi32, #tpu.memory_space<hbm>>
      %dma_start3A_39 = tpu.memref_squeeze %dma_start3A_38 : memref<1x1x5056xi32, #tpu.memory_space<hbm>> -> memref<5056xi32, #tpu.memory_space<hbm>>
      tpu.enqueue_dma source(%arg12 : memref<5056xi32, #tpu.memory_space<vmem>>) target(%dma_start3A_39 : memref<5056xi32, #tpu.memory_space<hbm>>) target_semaphore(%run_scoped3A_34 : memref<!tpu.dma_semaphore, #tpu.memory_space<semaphore_mem>>)
      %dma_wait3A = arith.constant 0 : i32
      %dma_wait3A_40 = tpu.memref_slice %arg5[%run_scoped3A_31, %add3A, %dma_wait3A] : memref<2x32x5056xi32, #tpu.memory_space<hbm>> -> memref<1x1x5056xi32, #tpu.memory_space<hbm>>
      %dma_wait3A_41 = tpu.memref_squeeze %dma_wait3A_40 : memref<1x1x5056xi32, #tpu.memory_space<hbm>> -> memref<5056xi32, #tpu.memory_space<hbm>>
      %dma_wait3A_42 = arith.constant 0 : i32
      %dma_wait3A_43 = tpu.memref_slice %arg5[%run_scoped3A_31, %add3A, %dma_wait3A_42] : memref<2x32x5056xi32, #tpu.memory_space<hbm>> -> memref<1x1x5056xi32, #tpu.memory_space<hbm>>
      %dma_wait3A_44 = tpu.memref_squeeze %dma_wait3A_43 : memref<1x1x5056xi32, #tpu.memory_space<hbm>> -> memref<5056xi32, #tpu.memory_space<hbm>>
      tpu.wait_dma2 semaphore(%run_scoped3A_34 : memref<!tpu.dma_semaphore, #tpu.memory_space<semaphore_mem>>) src(%arg12 : memref<5056xi32, #tpu.memory_space<vmem>>) dst(%dma_wait3A_44 : memref<5056xi32, #tpu.memory_space<hbm>>)
      tpu.yield
    }) : () -> ()
    %run_scoped3A_32 = arith.constant 0 : i32
    "tpu.region"() ({
      %run_scoped3A_34 = tpu.sem_alloc : memref<!tpu.dma_semaphore, #tpu.memory_space<semaphore_mem>>
      %dma_start3A = arith.constant 0 : i32
      %dma_start3A_35 = tpu.memref_slice %arg6[%run_scoped3A_32, %add3A, %dma_start3A] : memref<2x32x16xi32, #tpu.memory_space<hbm>> -> memref<1x1x16xi32, #tpu.memory_space<hbm>>
      %dma_start3A_36 = tpu.memref_squeeze %dma_start3A_35 : memref<1x1x16xi32, #tpu.memory_space<hbm>> -> memref<16xi32, #tpu.memory_space<hbm>>
      %dma_start3A_37 = arith.constant 0 : i32
      %dma_start3A_38 = tpu.memref_slice %arg6[%run_scoped3A_32, %add3A, %dma_start3A_37] : memref<2x32x16xi32, #tpu.memory_space<hbm>> -> memref<1x1x16xi32, #tpu.memory_space<hbm>>
      %dma_start3A_39 = tpu.memref_squeeze %dma_start3A_38 : memref<1x1x16xi32, #tpu.memory_space<hbm>> -> memref<16xi32, #tpu.memory_space<hbm>>
      tpu.enqueue_dma source(%arg13 : memref<16xi32, #tpu.memory_space<vmem>>) target(%dma_start3A_39 : memref<16xi32, #tpu.memory_space<hbm>>) target_semaphore(%run_scoped3A_34 : memref<!tpu.dma_semaphore, #tpu.memory_space<semaphore_mem>>)
      %dma_wait3A = arith.constant 0 : i32
      %dma_wait3A_40 = tpu.memref_slice %arg6[%run_scoped3A_32, %add3A, %dma_wait3A] : memref<2x32x16xi32, #tpu.memory_space<hbm>> -> memref<1x1x16xi32, #tpu.memory_space<hbm>>
      %dma_wait3A_41 = tpu.memref_squeeze %dma_wait3A_40 : memref<1x1x16xi32, #tpu.memory_space<hbm>> -> memref<16xi32, #tpu.memory_space<hbm>>
      %dma_wait3A_42 = arith.constant 0 : i32
      %dma_wait3A_43 = tpu.memref_slice %arg6[%run_scoped3A_32, %add3A, %dma_wait3A_42] : memref<2x32x16xi32, #tpu.memory_space<hbm>> -> memref<1x1x16xi32, #tpu.memory_space<hbm>>
      %dma_wait3A_44 = tpu.memref_squeeze %dma_wait3A_43 : memref<1x1x16xi32, #tpu.memory_space<hbm>> -> memref<16xi32, #tpu.memory_space<hbm>>
      tpu.wait_dma2 semaphore(%run_scoped3A_34 : memref<!tpu.dma_semaphore, #tpu.memory_space<semaphore_mem>>) src(%arg13 : memref<16xi32, #tpu.memory_space<vmem>>) dst(%dma_wait3A_44 : memref<16xi32, #tpu.memory_space<hbm>>)
      tpu.yield
    }) : () -> ()
    %run_scoped3A_33 = arith.constant 1 : i32
    "tpu.region"() ({
      %run_scoped3A_34 = tpu.sem_alloc : memref<!tpu.dma_semaphore, #tpu.memory_space<semaphore_mem>>
      %dma_start3A = arith.constant 0 : i32
      %dma_start3A_35 = tpu.memref_slice %arg6[%run_scoped3A_33, %add3A, %dma_start3A] : memref<2x32x16xi32, #tpu.memory_space<hbm>> -> memref<1x1x16xi32, #tpu.memory_space<hbm>>
      %dma_start3A_36 = tpu.memref_squeeze %dma_start3A_35 : memref<1x1x16xi32, #tpu.memory_space<hbm>> -> memref<16xi32, #tpu.memory_space<hbm>>
      %dma_start3A_37 = arith.constant 0 : i32
      %dma_start3A_38 = tpu.memref_slice %arg6[%run_scoped3A_33, %add3A, %dma_start3A_37] : memref<2x32x16xi32, #tpu.memory_space<hbm>> -> memref<1x1x16xi32, #tpu.memory_space<hbm>>
      %dma_start3A_39 = tpu.memref_squeeze %dma_start3A_38 : memref<1x1x16xi32, #tpu.memory_space<hbm>> -> memref<16xi32, #tpu.memory_space<hbm>>
      tpu.enqueue_dma source(%arg14 : memref<16xi32, #tpu.memory_space<vmem>>) target(%dma_start3A_39 : memref<16xi32, #tpu.memory_space<hbm>>) target_semaphore(%run_scoped3A_34 : memref<!tpu.dma_semaphore, #tpu.memory_space<semaphore_mem>>)
      %dma_wait3A = arith.constant 0 : i32
      %dma_wait3A_40 = tpu.memref_slice %arg6[%run_scoped3A_33, %add3A, %dma_wait3A] : memref<2x32x16xi32, #tpu.memory_space<hbm>> -> memref<1x1x16xi32, #tpu.memory_space<hbm>>
      %dma_wait3A_41 = tpu.memref_squeeze %dma_wait3A_40 : memref<1x1x16xi32, #tpu.memory_space<hbm>> -> memref<16xi32, #tpu.memory_space<hbm>>
      %dma_wait3A_42 = arith.constant 0 : i32
      %dma_wait3A_43 = tpu.memref_slice %arg6[%run_scoped3A_33, %add3A, %dma_wait3A_42] : memref<2x32x16xi32, #tpu.memory_space<hbm>> -> memref<1x1x16xi32, #tpu.memory_space<hbm>>
      %dma_wait3A_44 = tpu.memref_squeeze %dma_wait3A_43 : memref<1x1x16xi32, #tpu.memory_space<hbm>> -> memref<16xi32, #tpu.memory_space<hbm>>
      tpu.wait_dma2 semaphore(%run_scoped3A_34 : memref<!tpu.dma_semaphore, #tpu.memory_space<semaphore_mem>>) src(%arg14 : memref<16xi32, #tpu.memory_space<vmem>>) dst(%dma_wait3A_44 : memref<16xi32, #tpu.memory_space<hbm>>)
      tpu.yield
    }) : () -> ()
    return
  }
}

</mosaic_0001>

<sc_bundles>
// kernel: _sc_part.3.cloned.1.call-start
scs
__scs_entry_jumppad:
0x0: {  	(pc) =	sbr.rel $0x88, $3  }
0x1: {  	(tag) =	ssettag $0x0;
	lr =	simm.s32 $0x1  }
0x2: {  	[smem:$0x3F9F] =	sst lr;
	_ =	strace $0xD0000000  }
0x3: {  	_ = 	snop  }
0x4: {  	_ = 	snop  }
0x5: {  	_ = 	snop  }
0x6: {  	_ = 	snop  }
0x7: {  	_ = 	snop  }
__scs_overlays_trampoline_lowered:
0x8: {  	[smem:$0x3FAE] =	sst s0  }
0x9: {  	[smem:$0x3FAF] =	sst s1  }
0xa: {  	[smem:$0x3FB0] =	sst s2  }
0xb: {  	[smem:$0x3FB1] =	sst s3  }
0xc: {  	[smem:$0x3FB2] =	sst s4  }
0xd: {  	[smem:$0x3FB3] =	sst s5  }
0xe: {  	[smem:$0x3FB4] =	sst s6  }
0xf: {  	[smem:$0x3FB5] =	sst s7  }
0x10: {  	[smem:$0x3FB6] =	sst s8  }
0x11: {  	[smem:$0x3FB7] =	sst s9;
	s0 =	simm.s32 @!p0 $0x0  }
0x12: {  	s1 =	sld [smem:$0x3F9D];
	s0 =	simm.s32 @p0 $0x1  }
0x13: {  	[smem:$0x3FB8] =	sst s0;
	s0 =	simm.s32 @!p1 $0x0  }
0x14: {  	s2 =	sld [smem:$0x3F9C];
	s0 =	simm.s32 @p1 $0x1  }
0x15: {  	[smem:$0x3FB9] =	sst s0;
	s0 =	simm.s32 @!p2 $0x0  }
0x16: {  	s3 =	sld [smem:$0x3FDB];
	s0 =	simm.s32 @p2 $0x1  }
0x17: {  	s4 =	simm.s32 $0x1BF5;
	[smem:$0x3FBB] =	sst s0  }
0x18: {  	s0 =	sld [smem:$0x3F9E];
	_ =	swait.ge [sflag:s4], $0x0  }
0x19: {  	s7 =	sld [smem:$0x3F9F]  }
0x1a: {  	s8 =	sadd.s32 $0xFFFFE003, lr  }
0x1b: {  	s9 =	sadd.s32 $0xFFFFFEF7, lr;
	s5 =	simm.s32 $0xFFFFFFFF;
	p2 =	slt.u32 s8, $0xFFFFF086  }
0x1c: {  	p1 =	slt.u32 s9, $0xF7A;
	s5 =	simm.s32 @!p2 $0x0  }
0x1d: {  	s5 =	simm.s32 @p1 $0x1;
	p0 =	seq.s32 s7, s2  }
0x1e: {  	s7 =	smul.u32 @!p0 $0xF7A, s2;
	p2 =	seq.s32 @!p0 s5, $0x0  }
0x1f: {  	s9 =	smul.u32 $0xF7A, s1;
	s8 =	simm.s32 @!p0 $0x1BF5;
	p2 =	por !p2, p0  }
0x20: {  	[sflag:s8] =	ssyncset.s32 @!p0 $0xFFFFF086;
	s6 =	sadd.s32 @!p0 s3, s7;
	s7 =	simm.s32 @!p0 $0x108  }
0x21: {  	s3 =	sadd.s32 s3, s9;
	s6 =	sadd.s32 @!p0 $0x88, s6;
	s7 =	simm.s32 @p2 $0x1082  }
0x22: {  	[simem:s7], [sflag:s8] =	dma.local @!p0 [hbm:s6], $0xF7A  }
0x23: {  	s9 =	sor.u32 $0xD0000000, s2;
	s6 =	simm.s32 $0x108;
	_ =	swait.ge @!p0 [sflag:s8], $0x0  }
0x24: {  	s3 =	sadd.s32 $0x88, s3;
	s6 =	simm.s32 @!p1 $0x1082;
	[sflag:s4] =	ssyncset.s32 $0xFFFFF086  }
0x25: {  	[simem:s6], [sflag:s4] =	dma.local [hbm:s3], $0xF7A  }
0x26: {  	[smem:$0x3F9F] =	sst s1;
	(tag) =	ssettag s2;
	_ =	strace s9  }
0x27: {  	s1 =	sld [smem:$0x3FAF]  }
0x28: {  	s2 =	sld [smem:$0x3FB0]  }
0x29: {  	s4 =	sld [smem:$0x3FB2]  }
0x2a: {  	p0 =	seq.s32 s5, $0x0;
	s5 =	sld [smem:$0x3FB3]  }
0x2b: {  	s6 =	sld [smem:$0x3FB4]  }
0x2c: {  	s7 =	sld [smem:$0x3FB5]  }
0x2d: {  	s3 =	simm.s32 $0x108;
	s8 =	sld [smem:$0x3FB6]  }
0x2e: {  	s3 =	simm.s32 @!p0 $0x1082;
	s9 =	sld [smem:$0x3FB7]  }
0x2f: {  	lr =	sadd.s32 s0, s3;
	s0 =	sld [smem:$0x3FAE]  }
0x30: {  	s3 =	sld [smem:$0x3FB1]  }
0x31: {  	[smem:$0x3FBA] =	sst s10  }
0x32: {  	s10 =	sld [smem:$0x3FB8];
	_ =	sdelay $0x3  }
0x33: {  	p0 =	seq.s32 s10, $0x1;
	s10 =	sld [smem:$0x3FBA];
	_ =	sdelay $0x3  }
0x34: {  	[smem:$0x3FBA] =	sst s10  }
0x35: {  	s10 =	sld [smem:$0x3FB9];
	_ =	sdelay $0x3  }
0x36: {  	p1 =	seq.s32 s10, $0x1;
	s10 =	sld [smem:$0x3FBA];
	_ =	sdelay $0x3  }
0x37: {  	[smem:$0x3FBA] =	sst s10  }
0x38: {  	s10 =	sld [smem:$0x3FBB]  }
0x39: {  	_ = 	snop;
	(pc) =	sbr.ind lr, $3  }
0x3a: {  	_ = 	snop  }
0x3b: {  	_ = 	snop  }
0x3c: {  	p2 =	seq.s32 s10, $0x1;
	s10 =	sld [smem:$0x3FBA]  }
0x3d: {  	_ =	shalt  }
0x3e: {  	_ =	shalt  }
0x3f: {  	_ =	shalt  }
0x40: {  	_ =	shalt  }
0x41: {  	_ =	shalt  }
0x42: {  	_ =	shalt  }
0x43: {  	_ =	shalt  }
0x44: {  	_ =	shalt  }
0x45: {  	_ =	shalt  }
0x46: {  	_ =	shalt  }
0x47: {  	_ =	shalt  }
0x48: {  	_ =	shalt  }
0x49: {  	_ =	shalt  }
0x4a: {  	_ =	shalt  }
0x4b: {  	_ =	shalt  }
0x4c: {  	_ =	shalt  }
0x4d: {  	_ =	shalt  }
0x4e: {  	_ =	shalt  }
0x4f: {  	_ =	shalt  }
0x50: {  	_ =	shalt  }
0x51: {  	_ =	shalt  }
0x52: {  	_ =	shalt  }
0x53: {  	_ =	shalt  }
0x54: {  	_ =	shalt  }
0x55: {  	_ =	shalt  }
0x56: {  	_ =	shalt  }
0x57: {  	_ =	shalt  }
0x58: {  	_ =	shalt  }
0x59: {  	_ =	shalt  }
0x5a: {  	_ =	shalt  }
0x5b: {  	_ =	shalt  }
0x5c: {  	_ =	shalt  }
0x5d: {  	_ =	shalt  }
0x5e: {  	_ =	shalt  }
0x5f: {  	_ =	shalt  }
0x60: {  	_ =	shalt  }
0x61: {  	_ =	shalt  }
0x62: {  	_ =	shalt  }
0x63: {  	_ =	shalt  }
0x64: {  	_ =	shalt  }
0x65: {  	_ =	shalt  }
0x66: {  	_ =	shalt  }
0x67: {  	_ =	shalt  }
0x68: {  	_ =	shalt  }
0x69: {  	_ =	shalt  }
0x6a: {  	_ =	shalt  }
0x6b: {  	_ =	shalt  }
0x6c: {  	_ =	shalt  }
0x6d: {  	_ =	shalt  }
0x6e: {  	_ =	shalt  }
0x6f: {  	_ =	shalt  }
0x70: {  	_ =	shalt  }
0x71: {  	_ =	shalt  }
0x72: {  	_ =	shalt  }
0x73: {  	_ =	shalt  }
0x74: {  	_ =	shalt  }
0x75: {  	_ =	shalt  }
0x76: {  	_ =	shalt  }
0x77: {  	_ =	shalt  }
0x78: {  	_ =	shalt  }
0x79: {  	_ =	shalt  }
0x7a: {  	_ =	shalt  }
0x7b: {  	_ =	shalt  }
0x7c: {  	_ =	shalt  }
0x7d: {  	_ =	shalt  }
0x7e: {  	_ =	shalt  }
0x7f: {  	_ =	shalt  }
0x80: {  	_ =	shalt  }
0x81: {  	_ =	shalt  }
0x82: {  	_ =	shalt  }
0x83: {  	_ =	shalt  }
0x84: {  	_ =	shalt  }
0x85: {  	_ =	shalt  }
0x86: {  	_ =	shalt  }
0x87: {  	_ =	shalt  }
.Lfunc_end0:
.L_simem_size_0:
called_computation_lowered:
.L_overlay_start_0:
0x88: {  	s2 =	sld [smem:$0x3FD9]  }
0x89: {  	s3 =	sld [smem:$0x3FFE];
	_ =	sdelay $0x1  }
0x8a: {  	s1 =	srdreg.scid  }
0x8b: {  	s0 =	sand.u32 $0x1, s1  }
0x8c: {  	s14 =	sshll.u32 s0, $0xA;
	s2 =	sadd.s32 s3, s2  }
0x8d: {  	s2 =	sadd.s32 s2, s14  }
0x8e: {  	[smem:$0x3FC6] =	sst s2  }
0x8f: {  	_ = 	snop  }
0x90: {  	s2 =	sld [smem:$0x3FD0];
	_ =	sdelay $0x1  }
0x91: {  	s15 =	sld [smem:$0x3FC9]  }
0x92: {  	s5 =	simm.s32 $0xA;
	s6 =	simm.s32 $0x10;
	s4 =	sld [smem:$0x3FC8]  }
0x93: {  	[smem:s6], [sflag:s5] =	dma.local [hbm:s2], $0x1  }
0x94: {  	_ =	swait.eq [sflag:s5], $0x1  }
0x95: {  	[sflag:s5] =	ssyncset.done $0x0  }
0x96: {  	s16 =	sld [smem:$0x10];
	[sflag:s5] =	ssyncadd.s32 $0xFFFFFFFF  }
0x97: {  	s17 =	sld [smem:$0x12];
	(tm) =	ssettm $0x1  }
0x98: {  	s18 =	sld [smem:$0x3FFB];
	_ =	sdelay $0x3  }
0x99: {  	_ =	strace s18  }
0x9a: {  	s6 =	sld [smem:$0x3FFC];
	_ =	sdelay $0x3  }
0x9b: {  	_ =	strace s6  }
0x9c: {  	s6 =	sld [smem:$0x3FFD];
	_ =	sdelay $0x3  }
0x9d: {  	_ =	strace s6  }
0x9e: {  	_ =	strace $0x8FFFFFFF  }
0x9f: {  	s19 =	sld [smem:$0x3FDB];
	_ =	sdelay $0x1  }
0xa0: {  	s7 =	simm.s32 $_scs_section_size  }
0xa1: {  	s8 =	simm.s32 $_size__tile_overlayer_lowered;
	s9 =	simm.s32 $_tile_overlayer_lowered  }
0xa2: {  	s22 =	simm.s32 $0x1BFF;
	s21 =	sshll.u32 s9, $0x1;
	s6 =	sadd.s32 s7, s19  }
0xa3: {  	s10 =	simm.s32 $0x0;
	s20 =	sshll.u32 s8, $0x1;
	s8 =	sadd.s32 s21, s6  }
0xa4: {  	[timem:s10], [sflag:s22] =	dma.local [hbm:s8], s20  }
0xa5: {  	_ =	swait.ge [sflag:s22], s20  }
0xa6: {  	s7 =	ssub.s32 $0x0, s20;
	[sflag:s22] =	ssyncset.done $0x0  }
0xa7: {  	[sflag:s22] =	ssyncadd.s32 s7;
	_ =	sdelay $0x1  }
0xa8: {  	s23 =	simm.s32 $0x1B8B  }
0xa9: {  	_ =	swait.ge [sflag:s23], $0x1  }
0xaa: {  	[sflag:s23] =	ssyncset.done $0x0  }
0xab: {  	s25 =	simm.s32 $0x1B8E;
	s24 =	sld [smem:$0x3FFE];
	[sflag:s23] =	ssyncadd.s32 $0xFFFFFFFF  }
0xac: {  	s26 =	simm.s32 $execute0_lowered;
	[smem:$0x3FD2] =	sst s25  }
0xad: {  	s8 =	sshll.u32 s26, $0x1;
	_ =	strace $0x80000046;
	[dreg:$0x1] =	wrdreg $0xFFFFFFFF  }
0xae: {  	s28 =	simm.s32 $_size_execute0_lowered;
	s6 =	sadd.s32 s6, s8;
	[dreg:$0x0] =	wrdreg $0x0  }
0xaf: {  	s8 =	sshll.u32 s28, $0x1;
	[dreg:$0x2] =	wrdreg s6  }
0xb0: {  	[dreg:$0x3] =	wrdreg s8  }
0xb1: {  	[dreg:$0x4] =	wrdreg $0xC0  }
0xb2: {  	_ =	task [dreg:s10], $0x5FFFF  }
0xb3: {  	[dreg:$0x1] =	wrdreg $0xFFFFFFFF  }
0xb4: {  	[dreg:$0x0] =	wrdreg $0x60  }
0xb5: {  	[dreg:$0x2] =	wrdreg s15  }
0xb6: {  	[dreg:$0x3] =	wrdreg s4  }
0xb7: {  	[dreg:$0x4] =	wrdreg s16  }
0xb8: {  	[dreg:$0x5] =	wrdreg s24  }
0xb9: {  	[dreg:$0x6] =	wrdreg s17  }
0xba: {  	[dreg:$0x7] =	wrdreg $0x9  }
0xbb: {  	_ =	task.clear_ibuf [dreg:s10], $0x8FFFF;
	_ =	strace $0x90000046  }
0xbc: {  	s29 =	simm.s32 $0x9;
	_ =	strace $0x80000048  }
0xbd: {  	_ =	swait.ge [sflag:s29], $0x1  }
0xbe: {  	[sflag:s29] =	ssyncadd.s32 $0xFFFFFFFF  }
0xbf: {  	_ =	strace $0x90000048  }
0xc0: {  	_ =	sfence  }
0xc1: {  	s30 =	sld [smem:$0x0];
	_ =	sdelay $0x2  }
0xc2: {  	s31 =	sshll.u32 s1, $0xD;
	s1 =	sshrl.u32 s1, $0x2  }
0xc3: {  	s3 =	sand.u32 $0x4000, s31;
	s1 =	sadd.s32 s1, s30  }
0xc4: {  	s0 =	sor.u32 s3, s0;
	s1 =	sshll.u32 s1, $0x11  }
0xc5: {  	s0 =	sor.u32 s1, s0  }
0xc6: {  	s0 =	sadd.s32 $0x8F2B, s0  }
0xc7: {  	[sflag:s0] =	ssyncadd.remote.s32 $0x1  }
0xc8: {  	_ =	sfence.sel $0xFFFF  }
0xc9: {  	[dreg:$0x0] =	wrdreg $0xFFFFFFFF;
	(pc) =	sbr.abs _section_cstart, $3  }
0xca: {  	[dreg:$0x1] =	wrdreg $0xFFFFFFFF  }
0xcb: {  	_ =	task.clear_ibuf [dreg:s10], $0x2FFFF;
	_ =	strace $0x9FFFFFFF  }
0xcc: {  	(tm) =	ssettm $0x7FFFFFFF  }
0xcd: {  	_ =	shalt  }
tec
execute0_lowered:
.L_overlay_start_1:
0x0: {  	(tag) =	ssettag $0x1  }
0x1: {  	s3 =	rddreg [dreg:$0x0]  }
0x2: {  	s4 =	rddreg [dreg:$0x1]  }
0x3: {  	s7 =	rddreg [dreg:$0x2]  }
0x4: {  	s0 =	srdreg.scid;
	s5 =	rddreg [dreg:$0x3]  }
0x5: {  	s8 =	rddreg [dreg:$0x4];
	s1 =	stileid.u32;
	s14 =	simm.s32 $0x2740  }
0x6: {  	s15 =	simm.s32 $0x3B00;
	s16 =	simm.s32 $0x4EC0;
	s17 =	simm.s32 $0x6280  }
0x7: {  	s18 =	simm.s32 $0x7640;
	s19 =	simm.s32 $0x7650;
	s6 =	sand.u32 $0x1, s0  }
0x8: {  	s20 =	simm.s32 $0x0;
	s0 =	rddreg [dreg:$0x5];
	s2 =	sshll.u32 s6, $0x4  }
0x9: {  	s13 =	sadd.s32 $0xC00, s5;
	s6 =	ssub.s32 $0x2, s6;
	s9 =	sor.u32 s1, s2  }
0xa: {  	s2 =	simm.s32 $0x0;
	s11 =	sshrl.u32 s6, $0x1;
	s10 =	smul.u32 $0x274, s9  }
0xb: {  	[smem:$0x7FF] =	sst s2;
	s12 =	smul.u32 $0x13C0, s9;
	s9 =	sshll.u32 s9, $0x1  }
0xc: {  	s11 =	ssub.s32 s6, s11;
	_ =	strace $0x80000047;
	s8 =	sadd.s32 s8, s9  }
0xd: {  	s11 =	smax.u32 s11, $0x1;
	s3 =	sadd.s32 s3, s10;
	s4 =	sadd.s32 s4, s10  }
0xe: {  	s30 =	sshrl.u32 s12, $0x3;
	s10 =	sadd.s32 $0x40, s8;
	s12 =	simm.s32 $0x1  }
0xf: {  	s5 =	sadd.s32 s7, s30;
	s31 =	sadd.s32 $0x4F00, s30;
	s6 =	sadd.s32 s13, s30  }
0x10: {  	v0 =	vimm.s32 $0x0;
	v1 =	vimm.s32 $0x2710;
	s7 =	sadd.s32 s7, s31;
	s9 =	sadd.s32 s13, s31;
	s13 =	simm.s32 $0x13A0  }
.LBB2_1:
0x11: {  	s22 =	simm.s32 $0x40;
	s21 =	simm.s32 $0x0  }
.LBB2_2:
0x12: {  	p0 =	sne.s32 s22, $0x4EC0;
	[tilespmem:s21+$0x6280] =	vst v1;
	s23 =	smov.u32 s22;
	s22 =	sadd.s32 $0x40, s22  }
.Ltmp0:
0x13: {  	[tilespmem:s21+$0x3B00] =	vst v1;
	(pc) =	sbr.rel @p0 .LBB2_2-.Ltmp0, $3  }
0x14: {  	[tilespmem:s21+$0x2740] =	vst v0  }
0x15: {  	[tilespmem:s21+$0x4EC0] =	vst v0;
	_ =	sdelay $0x1  }
0x16: {  	s21 =	sshra.s32 s23, $0x2  }
0x17: {  	[tilespmem:s21+$0x6280] =	vst v1  }
0x18: {  	[tilespmem:s21+$0x3B00] =	vst v1  }
0x19: {  	[tilespmem:s21+$0x2740] =	vst v0  }
0x1a: {  	[tilespmem:s21+$0x4EC0] =	vst v0;
	s30 =	simm.s32 $0x0  }
0x1b: {  	[tilespmem:s30], [sflag:$0x1] =	stream.linear.gather [hbm4b:s3+s30], $0x13A0, $0x38;
	[tilespmem:$0x7660] =	vst v63  }
0x1c: {  	_ =	swait.ge [sflag:s12], $0x13A0  }
0x1d: {  	[sflag:s12] =	ssyncset.done $0x0  }
0x1e: {  	[sflag:s12] =	ssyncadd.s32 $0xFFFFEC60  }
0x1f: {  	[tilespmem:s13], [sflag:$0x1] =	stream.linear.gather [hbm4b:s4+s30], $0x13A0, $0x38;
	[tilespmem:$0x7660] =	vst v63  }
0x20: {  	_ =	swait.ge [sflag:s12], $0x13A0  }
0x21: {  	[sflag:s12] =	ssyncset.done $0x0  }
0x22: {  	s22 =	simm.s32 $0x0;
	[sflag:s12] =	ssyncadd.s32 $0xFFFFEC60  }
0x23: {  	v2 =	vld [tilespmem:s22+$0x13A0];
	_ =	sdelay $0x4  }
0x24: {  	vm0 =	vlt.s32 v2, $0x1388  }
0x25: {  	v3 =	vmpcnt.ones.xlane vm0;
	_ =	sdelay $0x1  }
0x26: {  	v3 =	vxor.u32 $0x80000000, v3  }
0x27: {  	(xrf0) =	vmax.scan.msk.u32 $0xffff, v3;
	_ =	sdelay $0x1  }
0x28: {  	v3 =	vld [tilespmem:s22+$0x0];
	_ =	sdelay $0x3  }
0x29: {  	v4, _, _ =	vpop (xrf0)  }
0x2a: {  	[tilespmem:s30+$0x2740] =	vst.msk vm0, v3;
	(v2sf) =	vpush v4, $0xF  }
0x2b: {  	vm1 =	vge.s32 v2, $0x1388;
	[tilespmem:s30+$0x3B00] =	vst.msk vm0, v2  }
0x2c: {  	[tilespmem:s30+$0x4EC0] =	vst.msk vm1, v3  }
0x2d: {  	s23 =	simm.s32 $0x10;
	[tilespmem:s30+$0x6280] =	vst.msk vm1, v2  }
0x2e: {  	v2 =	vld [tilespmem:s23+$0x13A0];
	_ =	sdelay $0x4  }
0x2f: {  	vm0 =	vlt.s32 v2, $0x1388  }
0x30: {  	v3 =	vmpcnt.ones.xlane vm0;
	_ =	sdelay $0x1  }
0x31: {  	v3 =	vxor.u32 $0x80000000, v3  }
0x32: {  	(xrf0) =	vmax.scan.msk.u32 $0xffff, v3  }
0x33: {  	v3 =	vld [tilespmem:s23+$0x0]  }
0x34: {  	s31 =	spop (v2sf)  }
0x35: {  	s24 =	sxor.u32 $0x80000000, s31  }
0x36: {  	s22 =	simm.s32 $0x80;
	s21 =	sadd.s32 $0x0, s24;
	s23 =	ssub.s32 $0x0, s24  }
.LBB2_4:
0x37: {  	p0 =	sne.s32 s22, $0x4E40  }
0x38: {  	[tilespmem:s21+$0x2740] =	vst.msk vm0, v3;
	v4, _, _ =	vpop (xrf0);
	s23 =	sadd.s32 $0x10, s23;
	s24 =	smov.u32 s22;
	s22 =	sadd.s32 $0x40, s22  }
0x39: {  	vm1 =	vge.s32 v2, $0x1388;
	[tilespmem:s21+$0x3B00] =	vst.msk vm0, v2;
	(v2sf) =	vpush v4, $0xF  }
0x3a: {  	[tilespmem:s23+$0x4EC0] =	vst.msk vm1, v3  }
0x3b: {  	s24 =	sshra.s32 s24, $0x2;
	[tilespmem:s23+$0x6280] =	vst.msk vm1, v2  }
0x3c: {  	v2 =	vld [tilespmem:s24+$0x13A0];
	_ =	sdelay $0x4  }
0x3d: {  	vm0 =	vlt.s32 v2, $0x1388  }
0x3e: {  	v3 =	vmpcnt.ones.xlane vm0;
	_ =	sdelay $0x1  }
0x3f: {  	v3 =	vxor.u32 $0x80000000, v3  }
0x40: {  	(xrf0) =	vmax.scan.msk.u32 $0xffff, v3  }
.Ltmp1:
0x41: {  	v3 =	vld [tilespmem:s24+$0x0];
	(pc) =	sbr.rel @p0 .LBB2_4-.Ltmp1, $4  }
0x42: {  	_ = 	snop  }
0x43: {  	s24 =	spop (v2sf)  }
0x44: {  	s24 =	sxor.u32 $0x80000000, s24  }
0x45: {  	s21 =	sadd.s32 s21, s24;
	s23 =	ssub.s32 s23, s24  }
0x46: {  	v4, _, _ =	vpop (xrf0)  }
0x47: {  	(v2sf) =	vpush v4, $0xF;
	_ =	sdelay $0xe  }
0x48: {  	[tilespmem:s21+$0x2740] =	vst.msk vm0, v3;
	s22 =	spop (v2sf)  }
0x49: {  	s23 =	sadd.s32 $0x10, s23;
	vm1 =	vge.s32 v2, $0x1388;
	[tilespmem:s21+$0x3B00] =	vst.msk vm0, v2;
	s22 =	sxor.u32 $0x80000000, s22  }
0x4a: {  	[tilespmem:s23+$0x4EC0] =	vst.msk vm1, v3;
	s31 =	sadd.s32 s21, s22;
	s22 =	ssub.s32 s23, s22  }
0x4b: {  	[tilespmem:s23+$0x6280] =	vst.msk vm1, v2;
	s22 =	sadd.s32 $0x10, s22;
	v2 =	vmov s31  }
0x4c: {  	[tilespmem:$0x7640] =	vst v2;
	v2 =	vmov s22  }
0x4d: {  	[tilespmem:$0x7650] =	vst v2  }
0x4e: {  	[hbm4b:s5+s2] =	stream.linear.scatter [tilespmem:s14], [sflag:$0x1], $0x13C0, $0x38;
	[tilespmem:$0x7660] =	vst v63  }
0x4f: {  	_ =	swait.ge [sflag:s12], $0x13C0  }
0x50: {  	[sflag:s12] =	ssyncset.done $0x0  }
0x51: {  	[sflag:s12] =	ssyncadd.s32 $0xFFFFEC40  }
0x52: {  	[hbm4b:s6+s2] =	stream.linear.scatter [tilespmem:s15], [sflag:$0x1], $0x13C0, $0x38;
	[tilespmem:$0x7660] =	vst v63  }
0x53: {  	_ =	swait.ge [sflag:s12], $0x13C0  }
0x54: {  	[sflag:s12] =	ssyncset.done $0x0  }
0x55: {  	[sflag:s12] =	ssyncadd.s32 $0xFFFFEC40  }
0x56: {  	[hbm4b:s7+s2] =	stream.linear.scatter [tilespmem:s16], [sflag:$0x1], $0x13C0, $0x38;
	[tilespmem:$0x7660] =	vst v63  }
0x57: {  	_ =	swait.ge [sflag:s12], $0x13C0  }
0x58: {  	[sflag:s12] =	ssyncset.done $0x0  }
0x59: {  	[sflag:s12] =	ssyncadd.s32 $0xFFFFEC40  }
0x5a: {  	[hbm4b:s9+s2] =	stream.linear.scatter [tilespmem:s17], [sflag:$0x1], $0x13C0, $0x38;
	[tilespmem:$0x7660] =	vst v63  }
0x5b: {  	_ =	swait.ge [sflag:s12], $0x13C0  }
0x5c: {  	[sflag:s12] =	ssyncset.done $0x0  }
0x5d: {  	[sflag:s12] =	ssyncadd.s32 $0xFFFFEC40  }
0x5e: {  	[hbm4b:s8+s2] =	stream.linear.scatter [tilespmem:s18], [sflag:$0x1], $0x10, $0x38;
	[tilespmem:$0x7660] =	vst v63  }
0x5f: {  	s20 =	sadd.s32 $0x1, s20;
	_ =	swait.ge [sflag:s12], $0x10  }
0x60: {  	p0 =	sne.s32 s20, s11;
	[sflag:s12] =	ssyncset.done $0x0  }
.Ltmp2:
0x61: {  	[sflag:s12] =	ssyncadd.s32 $0xFFFFFFF0;
	(pc) =	sbr.rel @p0 .LBB2_1-.Ltmp2, $4  }
0x62: {  	[hbm4b:s10+s2] =	stream.linear.scatter [tilespmem:s19], [sflag:$0x1], $0x10, $0x38;
	[tilespmem:$0x7660] =	vst v63  }
0x63: {  	_ =	swait.ge [sflag:s12], $0x10  }
0x64: {  	[sflag:s12] =	ssyncset.done $0x0  }
0x65: {  	[sflag:s12] =	ssyncadd.s32 $0xFFFFFFF0  }
0x66: {  	_ =	sfence.sel $0x180000  }
0x67: {  	[bflag:$0x0] =	sbarrier.arrive $0xFFFF  }
0x68: {  	p0 =	sne.s32 s1, $0x0;
	_ =	strace $0x90000047  }
0x69: {  	s0 =	sadd.s32 @!p0 $0x100000, s0;
	[bflag:$0x2] =	sbarrier.arrive $0xFFFF  }
0x6a: {  	[sflag:s0] =	ssyncadd.tile.s32 @!p0 $0x1;
	_ =	shalt  }
.Lfunc_end2:
_tile_overlayer_lowered:
.L_overlay_start_2:
0x6b: {  	(tag) =	ssettag $0x2  }
0x6c: {  	s0 =	rddreg [dreg:$0x0];
	s2 =	stileid.u32  }
0x6d: {  	s1 =	rddreg [dreg:$0x1];
	p0 =	sne.s32 s2, $0x0  }
0x6e: {  	s3 =	rddreg [dreg:$0x2];
	[bflag:$0x3] =	sbarrier.arrive $0xFFFF;
	s2 =	simm.s32 @!p0 $0x1C01  }
0x6f: {  	[timem:s3], [sflag:s2] =	dma.local @!p0 [hbm:s0], s1  }
0x70: {  	s0 =	simm.s32 @!p0 $0x1  }
0x71: {  	_ =	swait.ge @!p0 [sflag:s0], s1  }
0x72: {  	s1 =	ssub.s32 @!p0 $0x0, s1;
	[sflag:s0] =	ssyncset.done @!p0 $0x0  }
0x73: {  	[sflag:s0] =	ssyncadd.s32 @!p0 s1  }
0x74: {  	[bflag:$0x3] =	sbarrier.arrive $0xFFFF  }
0x75: {  	_ =	shalt  }

</sc_bundles>
